<compile_context>
chip_gen: v7x
topology: tpu7x:2x2x1
jax: 0.10.2.dev20260603
libtpu: 0.0.44.dev20260713+nightly
codegen_flags: <defaults>
</compile_context>

<pallas_src>
import functools

import jax
import jax.numpy as jnp
from jax import lax
from jax.experimental import pallas as pl
from jax.experimental.pallas import tpu as pltpu
from jax.experimental.pallas import tpu_sc as plsc

CAP = 64
K = 64
REG = 0.1
ROWS = 4096
D = 512
BLK = 1024

NC = 2
NS = 16
RPW = ROWS // (NC * NS)


def _gather_sc_body(centers_h, labels_h, out_h, idx_v, rows_v, sem):
    c = lax.axis_index("c")
    s = lax.axis_index("s")
    w = s * NC + c
    base = w * RPW
    pltpu.sync_copy(labels_h.at[pl.ds(base, RPW)], idx_v)
    pltpu.async_copy(centers_h.at[idx_v], rows_v, sem).wait()
    pltpu.sync_copy(rows_v, out_h.at[pl.ds(base, RPW)])


def _sc_gather_centers(centers, labels):
    mesh = plsc.VectorSubcoreMesh(core_axis_name="c", subcore_axis_name="s")
    f = pl.kernel(
        _gather_sc_body,
        mesh=mesh,
        out_type=jax.ShapeDtypeStruct((ROWS, D), jnp.float32),
        scratch_types=[
            pltpu.VMEM((RPW,), jnp.int32),
            pltpu.VMEM((RPW, D), jnp.float32),
            pltpu.SemaphoreType.DMA,
        ],
    )
    return f(centers, labels)


def _centers_body(t_ref, labr_ref, cen_ref):
    t = t_ref[...]
    labr = labr_ref[...]
    onehot = (labr == lax.broadcasted_iota(jnp.int32, (K, ROWS), 0)
              ).astype(jnp.float32)
    counts = jnp.sum(onehot, axis=1, keepdims=True)
    sums = jnp.dot(onehot, t, preferred_element_type=jnp.float32)
    cen_ref[...] = sums / jnp.clip(counts, 1.0)


def _scores_body(t_ref, cdata_ref, labc_ref, sc_ref, scl_ref, *, b_scale):
    t = t_ref[...]
    labc = labc_ref[...]
    diff = t - cdata_ref[...]
    dist = jnp.sum(diff * diff, axis=1, keepdims=True) * (1.0 / D)
    mn = jnp.min(dist)
    mx = jnp.max(dist)
    dn = (dist - mn) / (mx - mn)
    scores = dn + labc.astype(jnp.float32)
    smn = jnp.min(scores)
    smx = jnp.max(scores)
    sc_ref[...] = scores
    scl_ref[...] = (scores - smn) / (smx - smn) * b_scale


def _rank_body(sclc_ref, sclr_ref, r_ref, ri_ref):
    c = 0.5 / REG
    ai = sclc_ref[...] * c
    ar = sclr_ref[...] * c
    t = jnp.tanh(ar - ai)
    tsum = jnp.sum(t, axis=1, keepdims=True)
    r_ref[...] = (0.5 + 0.5 * ROWS) - 0.5 * tsum
    cnt = jnp.sum(jnp.where(t < 0.0, 1.0, 0.0), axis=1, keepdims=True)
    ri_ref[...] = cnt.astype(jnp.int32) // CAP + 1


def kernel(table, labels):
    rows = table.shape[1]
    d = table.shape[-1]
    table = table.reshape(-1, rows, d)
    b = table.shape[0]
    t2d = table.reshape(rows, d)
    labr = labels.reshape(1, rows).astype(jnp.int32)
    labc = labels.reshape(rows, 1).astype(jnp.int32)

    centers = pl.pallas_call(
        _centers_body,
        out_shape=jax.ShapeDtypeStruct((K, d), jnp.float32),
    )(t2d, labr)

    cdata = _sc_gather_centers(centers, labels.astype(jnp.int32))

    scores, scaled = pl.pallas_call(
        functools.partial(_scores_body, b_scale=float(b)),
        out_shape=(
            jax.ShapeDtypeStruct((rows, 1), jnp.float32),
            jax.ShapeDtypeStruct((rows, 1), jnp.float32),
        ),
    )(t2d, cdata, labc)

    sclr = scaled.reshape(1, rows)
    grid = rows // BLK
    ranks, rank_idx = pl.pallas_call(
        _rank_body,
        grid=(grid,),
        in_specs=[
            pl.BlockSpec((BLK, 1), lambda i: (i, 0)),
            pl.BlockSpec((1, rows), lambda i: (0, 0)),
        ],
        out_specs=(
            pl.BlockSpec((BLK, 1), lambda i: (i, 0)),
            pl.BlockSpec((BLK, 1), lambda i: (i, 0)),
        ),
        out_shape=(
            jax.ShapeDtypeStruct((rows, 1), jnp.float32),
            jax.ShapeDtypeStruct((rows, 1), jnp.int32),
        ),
    )(scaled, sclr)

    return (ranks.reshape(b, rows, 1),
            rank_idx.reshape(b, rows, 1),
            scores.reshape(b, rows, 1))

# --- scband reference (transcript-rebuilt; emitter-appended) ---
"""Pipeline reference for scband-ranking-model-v3-25237227831809 (READ-ONLY COPY).

The authoritative reference and input builder live on the scoring server;
editing this copy changes nothing except your own understanding.
"""

import jax, jax.numpy as jnp
import numpy as np

CAPACITY = 64       # BlockSize
NUM_CLUSTERS = 64   # number of cluster labels (replaces sklearn AgglomerativeClustering)
REG = 0.1           # torchsort soft_rank l2 regularization_strength


def setup_inputs(seed: int = 0) -> dict:
    key = jax.random.key(seed)
    k1, k2 = jax.random.split(key)
    table = jax.random.normal(k1, (1, 4096, 512), dtype=jnp.float32)
    labels = jax.random.randint(k2, (4096,), 0, NUM_CLUSTERS, dtype=jnp.int32)
    return {"table": table, "labels": labels}


def _soft_rank(s):
    # Differentiable soft rank approximating torchsort.soft_rank(l2, reg=0.1):
    # r_i = 0.5 + sum_j sigmoid((s_i - s_j)/reg); for well-separated scores this
    # converges to the hard 1-indexed rank, matching soft_rank's limit.
    diff = (s[:, :, None] - s[:, None, :]) / REG
    return 0.5 + jnp.sum(jax.nn.sigmoid(diff), axis=-1)


def _clustering(table, labels):
    # Cluster labels are supplied as an input (the original used sklearn
    # AgglomerativeClustering on detached data, i.e. non-differentiable constants).
    B, rows, D = table.shape
    ones = jnp.ones((rows,), dtype=table.dtype)
    counts = jax.ops.segment_sum(ones, labels, num_segments=NUM_CLUSTERS)
    sums = jax.vmap(lambda t: jax.ops.segment_sum(t, labels, num_segments=NUM_CLUSTERS))(table)
    centers = sums / jnp.clip(counts, 1.0)[None, :, None]          # [B, K, D]
    center_data = jnp.take(centers, labels, axis=1)                # gather [B, rows, D]
    distances = jnp.mean(jnp.square(table - center_data), axis=-1) # [B, rows]
    mn = jnp.min(distances, axis=1, keepdims=True)
    mx = jnp.max(distances, axis=1, keepdims=True)
    distances = (distances - mn) / (mx - mn) * 1.0
    scores = distances + labels[None, :].astype(table.dtype)
    return scores


def reference(table, labels):
    rows = table.shape[1]
    table = table.reshape(-1, rows, table.shape[-1])
    B = table.shape[0]
    scores = _clustering(table, labels)                            # [B, rows]
    mn = jnp.min(scores, axis=1, keepdims=True)
    mx = jnp.max(scores, axis=1, keepdims=True)
    scaled_scores = (scores - mn) / (mx - mn) * B
    original_ranks = _soft_rank(scaled_scores)                     # [B, rows]
    sorted_indices = jnp.argsort(scores, axis=1)
    # inverse permutation == rank of each element (same as the torch scatter loop)
    rank_indices = jnp.argsort(sorted_indices, axis=1)
    rank_indices = rank_indices // CAPACITY + 1
    return (original_ranks.reshape(-1, rows, 1),
            rank_indices.reshape(-1, rows, 1),
            scores.reshape(-1, rows, 1))

if __name__ == "__main__":
    import jax
    _d = setup_inputs()
    print(jax.jit(kernel)(*tuple(_d.values())))

</pallas_src>

<mosaic_0001>
#map = affine_map<(d0, d1) -> (0, 0)>
#map1 = affine_map<(d0, d1) -> (0)>
module attributes {stable_mosaic.version = 14 : i64} {
  func.func @_gather_sc_body(%arg0: i32, %arg1: i32, %arg2: memref<64x512xf32, #tpu.memory_space<hbm>>, %arg3: memref<4096xi32, #tpu.memory_space<hbm>>, %arg4: memref<4096x512xf32, #tpu.memory_space<hbm>>, %arg5: memref<128xi32, #tpu.memory_space<vmem>>, %arg6: memref<128x512xf32, #tpu.memory_space<vmem>>, %arg7: memref<!tpu.dma_semaphore, #tpu.memory_space<semaphore_mem>>) attributes {dimension_semantics = [#tpu.dimension_semantics<core_parallel>, #tpu.dimension_semantics<subcore_parallel>], iteration_bounds = array<i64: 2, 16>, scalar_prefetch = 0 : i64, scratch_operands = 3 : i64, tpu.core_type = #tpu.core_type<sc_vector_subcore>, window_params = [{transform_indices = #map}, {transform_indices = #map1}, {transform_indices = #map}]} {
    %mul3A = arith.constant 2 : i32
    %mul3A_0 = arith.muli %arg1, %mul3A : i32
    %add3A = arith.addi %mul3A_0, %arg0 : i32
    %mul3A_1 = arith.constant 128 : i32
    %mul3A_2 = arith.muli %add3A, %mul3A_1 : i32
    "tpu.region"() ({
      %run_scoped3A = tpu.sem_alloc : memref<!tpu.dma_semaphore, #tpu.memory_space<semaphore_mem>>
      %dma_start3A_7 = tpu.memref_slice %arg3[%mul3A_2] : memref<4096xi32, #tpu.memory_space<hbm>> -> memref<128xi32, #tpu.memory_space<hbm>>
      %dma_start3A_8 = tpu.memref_slice %arg3[%mul3A_2] : memref<4096xi32, #tpu.memory_space<hbm>> -> memref<128xi32, #tpu.memory_space<hbm>>
      tpu.enqueue_dma source(%dma_start3A_8 : memref<128xi32, #tpu.memory_space<hbm>>) target(%arg5 : memref<128xi32, #tpu.memory_space<vmem>>) target_semaphore(%run_scoped3A : memref<!tpu.dma_semaphore, #tpu.memory_space<semaphore_mem>>)
      %dma_wait3A_9 = tpu.memref_slice %arg3[%mul3A_2] : memref<4096xi32, #tpu.memory_space<hbm>> -> memref<128xi32, #tpu.memory_space<hbm>>
      %dma_wait3A_10 = tpu.memref_slice %arg3[%mul3A_2] : memref<4096xi32, #tpu.memory_space<hbm>> -> memref<128xi32, #tpu.memory_space<hbm>>
      tpu.wait_dma2 semaphore(%run_scoped3A : memref<!tpu.dma_semaphore, #tpu.memory_space<semaphore_mem>>) src(%dma_wait3A_10 : memref<128xi32, #tpu.memory_space<hbm>>) dst(%arg5 : memref<128xi32, #tpu.memory_space<vmem>>)
      tpu.yield
    }) : () -> ()
    %dma_start3A = arith.constant 0 : i32
    %dma_start3A_3 = arith.constant 0 : i32
    %dma_start3A_4 = tpu.memref_slice %arg2[%dma_start3A, %dma_start3A_3] : memref<64x512xf32, #tpu.memory_space<hbm>> -> memref<64x512xf32, #tpu.memory_space<hbm>>
    tpu.enqueue_indirect_dma source(%dma_start3A_4 : memref<64x512xf32, #tpu.memory_space<hbm>>) target(%arg6 : memref<128x512xf32, #tpu.memory_space<vmem>>) offsets(%arg5 : memref<128xi32, #tpu.memory_space<vmem>>) semaphore(%arg7 : memref<!tpu.dma_semaphore, #tpu.memory_space<semaphore_mem>>)
    %dma_wait3A = arith.constant 0 : i32
    %dma_wait3A_5 = arith.constant 0 : i32
    %dma_wait3A_6 = tpu.memref_slice %arg2[%dma_wait3A, %dma_wait3A_5] : memref<64x512xf32, #tpu.memory_space<hbm>> -> memref<64x512xf32, #tpu.memory_space<hbm>>
    tpu.wait_indirect_dma semaphore(%arg7 : memref<!tpu.dma_semaphore, #tpu.memory_space<semaphore_mem>>) src(%dma_wait3A_6 : memref<64x512xf32, #tpu.memory_space<hbm>>) dst(%arg6 : memref<128x512xf32, #tpu.memory_space<vmem>>)
    "tpu.region"() ({
      %run_scoped3A = tpu.sem_alloc : memref<!tpu.dma_semaphore, #tpu.memory_space<semaphore_mem>>
      %dma_start3A_7 = arith.constant 0 : i32
      %dma_start3A_8 = tpu.memref_slice %arg4[%mul3A_2, %dma_start3A_7] : memref<4096x512xf32, #tpu.memory_space<hbm>> -> memref<128x512xf32, #tpu.memory_space<hbm>>
      %dma_start3A_9 = arith.constant 0 : i32
      %dma_start3A_10 = tpu.memref_slice %arg4[%mul3A_2, %dma_start3A_9] : memref<4096x512xf32, #tpu.memory_space<hbm>> -> memref<128x512xf32, #tpu.memory_space<hbm>>
      tpu.enqueue_dma source(%arg6 : memref<128x512xf32, #tpu.memory_space<vmem>>) target(%dma_start3A_10 : memref<128x512xf32, #tpu.memory_space<hbm>>) target_semaphore(%run_scoped3A : memref<!tpu.dma_semaphore, #tpu.memory_space<semaphore_mem>>)
      %dma_wait3A_11 = arith.constant 0 : i32
      %dma_wait3A_12 = tpu.memref_slice %arg4[%mul3A_2, %dma_wait3A_11] : memref<4096x512xf32, #tpu.memory_space<hbm>> -> memref<128x512xf32, #tpu.memory_space<hbm>>
      %dma_wait3A_13 = arith.constant 0 : i32
      %dma_wait3A_14 = tpu.memref_slice %arg4[%mul3A_2, %dma_wait3A_13] : memref<4096x512xf32, #tpu.memory_space<hbm>> -> memref<128x512xf32, #tpu.memory_space<hbm>>
      tpu.wait_dma2 semaphore(%run_scoped3A : memref<!tpu.dma_semaphore, #tpu.memory_space<semaphore_mem>>) src(%arg6 : memref<128x512xf32, #tpu.memory_space<vmem>>) dst(%dma_wait3A_14 : memref<128x512xf32, #tpu.memory_space<hbm>>)
      tpu.yield
    }) : () -> ()
    return
  }
}

module attributes {stable_mosaic.version = 14 : i64} {
  func.func @_centers_body(%arg0: memref<4096x512xf32, #tpu.memory_space<vmem>>, %arg1: memref<1x4096xi32, #tpu.memory_space<vmem>>, %arg2: memref<64x512xf32, #tpu.memory_space<vmem>>) attributes {dimension_semantics = [], scalar_prefetch = 0 : i64, scratch_operands = 0 : i64, tpu.core_type = #tpu.core_type<tc>} {
    %get3A = arith.constant 0 : index
    %get3A_0 = arith.constant 0 : index
    %get3A_1 = vector.load %arg0[%get3A, %get3A_0] : memref<4096x512xf32, #tpu.memory_space<vmem>>, vector<4096x512xf32>
    %get3A_2 = arith.constant 0 : index
    %get3A_3 = arith.constant 0 : index
    %get3A_4 = vector.load %arg1[%get3A_2, %get3A_3] : memref<1x4096xi32, #tpu.memory_space<vmem>>, vector<1x4096xi32>
    %iota3A = tpu.iota {dimensions = array<i32: 0>} : vector<64x4096xi32>
    %eq3A = vector.broadcast %get3A_4 : vector<1x4096xi32> to vector<64x4096xi32>
    %eq3A_5 = arith.cmpi eq, %eq3A, %iota3A : vector<64x4096xi32>
    %convert_element_type3A = arith.extui %eq3A_5 : vector<64x4096xi1> to vector<64x4096xi32>
    %convert_element_type3A_6 = arith.sitofp %convert_element_type3A : vector<64x4096xi32> to vector<64x4096xf32>
    %reduce_sum3A = arith.constant dense<0.000000e+00> : vector<64xf32>
    %reduce_sum3A_7 = vector.multi_reduction <add>, %convert_element_type3A_6, %reduce_sum3A [1] : vector<64x4096xf32> to vector<64xf32>
    %broadcast_in_dim3A = vector.shape_cast %reduce_sum3A_7 : vector<64xf32> to vector<64x1xf32>
    %dot_general3A = arith.constant dense<0.000000e+00> : vector<64x512xf32>
    %dot_general3A_8 = tpu.matmul %convert_element_type3A_6, %get3A_1, %dot_general3A {dimension_numbers = #tpu.dot_dimension_numbers<[1], [0], [0], [1], [0, 0, 1, 1], [], []>, transpose_lhs_hint = false} : vector<64x4096xf32>, vector<4096x512xf32>, vector<64x512xf32> -> vector<64x512xf32>
    %jit3A = arith.constant 1.000000e+00 : f32
    %max3A = vector.broadcast %jit3A : f32 to vector<64x1xf32>
    %max3A_9 = arith.maximumf %max3A, %broadcast_in_dim3A : vector<64x1xf32>
    %div3A = vector.broadcast %max3A_9 : vector<64x1xf32> to vector<64x512xf32>
    %div3A_10 = arith.divf %dot_general3A_8, %div3A : vector<64x512xf32>
    %swap3A = arith.constant 0 : index
    %swap3A_11 = arith.constant 0 : index
    %swap3A_12 = vector.load %arg2[%swap3A, %swap3A_11] : memref<64x512xf32, #tpu.memory_space<vmem>>, vector<64x512xf32>
    tpu.vector_store %arg2[%swap3A, %swap3A_11], %div3A_10 {strides = array<i32>} : memref<64x512xf32, #tpu.memory_space<vmem>>, vector<64x512xf32>,
    return
  }
}

module attributes {stable_mosaic.version = 14 : i64} {
  func.func @_scores_body(%arg0: memref<4096x512xf32, #tpu.memory_space<vmem>>, %arg1: memref<4096x512xf32, #tpu.memory_space<vmem>>, %arg2: memref<4096x1xi32, #tpu.memory_space<vmem>>, %arg3: memref<4096x1xf32, #tpu.memory_space<vmem>>, %arg4: memref<4096x1xf32, #tpu.memory_space<vmem>>) attributes {dimension_semantics = [], scalar_prefetch = 0 : i64, scratch_operands = 0 : i64, tpu.core_type = #tpu.core_type<tc>} {
    %get3A = arith.constant 0 : index
    %get3A_0 = arith.constant 0 : index
    %get3A_1 = vector.load %arg0[%get3A, %get3A_0] : memref<4096x512xf32, #tpu.memory_space<vmem>>, vector<4096x512xf32>
    %get3A_2 = arith.constant 0 : index
    %get3A_3 = arith.constant 0 : index
    %get3A_4 = vector.load %arg2[%get3A_2, %get3A_3] : memref<4096x1xi32, #tpu.memory_space<vmem>>, vector<4096x1xi32>
    %get3A_5 = arith.constant 0 : index
    %get3A_6 = arith.constant 0 : index
    %get3A_7 = vector.load %arg1[%get3A_5, %get3A_6] : memref<4096x512xf32, #tpu.memory_space<vmem>>, vector<4096x512xf32>
    %sub3A = arith.subf %get3A_1, %get3A_7 : vector<4096x512xf32>
    %mul3A = arith.mulf %sub3A, %sub3A : vector<4096x512xf32>
    %reduce_sum3A = arith.constant dense<0.000000e+00> : vector<4096xf32>
    %reduce_sum3A_8 = vector.multi_reduction <add>, %mul3A, %reduce_sum3A [1] : vector<4096x512xf32> to vector<4096xf32>
    %broadcast_in_dim3A = vector.shape_cast %reduce_sum3A_8 : vector<4096xf32> to vector<4096x1xf32>
    %mul3A_9 = arith.constant 0.001953125 : f32
    %mul3A_10 = vector.broadcast %mul3A_9 : f32 to vector<4096x1xf32>
    %mul3A_11 = arith.mulf %broadcast_in_dim3A, %mul3A_10 : vector<4096x1xf32>
    %reduce_min3A = vector.shape_cast %mul3A_11 : vector<4096x1xf32> to vector<1x4096x1xf32>
    %reduce_min3A_12 = arith.constant dense<0x7F800000> : vector<1xf32>
    %reduce_min3A_13 = vector.multi_reduction <minimumf>, %reduce_min3A, %reduce_min3A_12 [1, 2] : vector<1x4096x1xf32> to vector<1xf32>
    %reduce_min3A_14 = vector.shape_cast %reduce_min3A_13 : vector<1xf32> to vector<1x1x1xf32>
    %reduce_min3A_15 = vector.extract %reduce_min3A_14[0, 0, 0] : f32 from vector<1x1x1xf32>
    %reduce_max3A = vector.shape_cast %mul3A_11 : vector<4096x1xf32> to vector<1x4096x1xf32>
    %reduce_max3A_16 = arith.constant dense<0xFF800000> : vector<1xf32>
    %reduce_max3A_17 = vector.multi_reduction <maximumf>, %reduce_max3A, %reduce_max3A_16 [1, 2] : vector<1x4096x1xf32> to vector<1xf32>
    %reduce_max3A_18 = vector.shape_cast %reduce_max3A_17 : vector<1xf32> to vector<1x1x1xf32>
    %reduce_max3A_19 = vector.extract %reduce_max3A_18[0, 0, 0] : f32 from vector<1x1x1xf32>
    %sub3A_20 = vector.broadcast %reduce_min3A_15 : f32 to vector<4096x1xf32>
    %sub3A_21 = arith.subf %mul3A_11, %sub3A_20 : vector<4096x1xf32>
    %sub3A_22 = arith.subf %reduce_max3A_19, %reduce_min3A_15 : f32
    %div3A = vector.broadcast %sub3A_22 : f32 to vector<4096x1xf32>
    %div3A_23 = arith.divf %sub3A_21, %div3A : vector<4096x1xf32>
    %convert_element_type3A = arith.sitofp %get3A_4 : vector<4096x1xi32> to vector<4096x1xf32>
    %add3A = arith.addf %div3A_23, %convert_element_type3A : vector<4096x1xf32>
    %reduce_min3A_24 = vector.shape_cast %add3A : vector<4096x1xf32> to vector<1x4096x1xf32>
    %reduce_min3A_25 = arith.constant dense<0x7F800000> : vector<1xf32>
    %reduce_min3A_26 = vector.multi_reduction <minimumf>, %reduce_min3A_24, %reduce_min3A_25 [1, 2] : vector<1x4096x1xf32> to vector<1xf32>
    %reduce_min3A_27 = vector.shape_cast %reduce_min3A_26 : vector<1xf32> to vector<1x1x1xf32>
    %reduce_min3A_28 = vector.extract %reduce_min3A_27[0, 0, 0] : f32 from vector<1x1x1xf32>
    %reduce_max3A_29 = vector.shape_cast %add3A : vector<4096x1xf32> to vector<1x4096x1xf32>
    %reduce_max3A_30 = arith.constant dense<0xFF800000> : vector<1xf32>
    %reduce_max3A_31 = vector.multi_reduction <maximumf>, %reduce_max3A_29, %reduce_max3A_30 [1, 2] : vector<1x4096x1xf32> to vector<1xf32>
    %reduce_max3A_32 = vector.shape_cast %reduce_max3A_31 : vector<1xf32> to vector<1x1x1xf32>
    %reduce_max3A_33 = vector.extract %reduce_max3A_32[0, 0, 0] : f32 from vector<1x1x1xf32>
    %swap3A = arith.constant 0 : index
    %swap3A_34 = arith.constant 0 : index
    %swap3A_35 = vector.load %arg3[%swap3A, %swap3A_34] : memref<4096x1xf32, #tpu.memory_space<vmem>>, vector<4096x1xf32>
    tpu.vector_store %arg3[%swap3A, %swap3A_34], %add3A {strides = array<i32>} : memref<4096x1xf32, #tpu.memory_space<vmem>>, vector<4096x1xf32>,
    %sub3A_36 = vector.broadcast %reduce_min3A_28 : f32 to vector<4096x1xf32>
    %sub3A_37 = arith.subf %add3A, %sub3A_36 : vector<4096x1xf32>
    %sub3A_38 = arith.subf %reduce_max3A_33, %reduce_min3A_28 : f32
    %div3A_39 = vector.broadcast %sub3A_38 : f32 to vector<4096x1xf32>
    %div3A_40 = arith.divf %sub3A_37, %div3A_39 : vector<4096x1xf32>
    %mul3A_41 = arith.constant 1.000000e+00 : f32
    %mul3A_42 = vector.broadcast %mul3A_41 : f32 to vector<4096x1xf32>
    %mul3A_43 = arith.mulf %div3A_40, %mul3A_42 : vector<4096x1xf32>
    %swap3A_44 = arith.constant 0 : index
    %swap3A_45 = arith.constant 0 : index
    %swap3A_46 = vector.load %arg4[%swap3A_44, %swap3A_45] : memref<4096x1xf32, #tpu.memory_space<vmem>>, vector<4096x1xf32>
    tpu.vector_store %arg4[%swap3A_44, %swap3A_45], %mul3A_43 {strides = array<i32>} : memref<4096x1xf32, #tpu.memory_space<vmem>>, vector<4096x1xf32>,
    return
  }
}

module attributes {stable_mosaic.version = 14 : i64} {
  func.func @_rank_body(%arg0: i32, %arg1: memref<1024x1xf32, #tpu.memory_space<vmem>>, %arg2: memref<1x4096xf32, #tpu.memory_space<vmem>>, %arg3: memref<1024x1xf32, #tpu.memory_space<vmem>>, %arg4: memref<1024x1xi32, #tpu.memory_space<vmem>>) attributes {dimension_semantics = [#tpu.dimension_semantics<arbitrary>], iteration_bounds = array<i64: 4>, scalar_prefetch = 0 : i64, scratch_operands = 0 : i64, tpu.core_type = #tpu.core_type<tc>, window_params = [{transform_indices = @transform_0, window_bounds = array<i64: 1024, 1>}, {pipeline_mode = #tpu.pipeline_mode<synchronous>, transform_indices = @transform_1, window_bounds = array<i64: 1, 4096>}, {transform_indices = @transform_2, window_bounds = array<i64: 1024, 1>}, {transform_indices = @transform_3, window_bounds = array<i64: 1024, 1>}]} {
    %get3A = arith.constant 0 : index
    %get3A_0 = arith.constant 0 : index
    %get3A_1 = vector.load %arg1[%get3A, %get3A_0] : memref<1024x1xf32, #tpu.memory_space<vmem>>, vector<1024x1xf32>
    %mul3A = arith.constant 5.000000e+00 : f32
    %mul3A_2 = vector.broadcast %mul3A : f32 to vector<1024x1xf32>
    %mul3A_3 = arith.mulf %get3A_1, %mul3A_2 : vector<1024x1xf32>
    %get3A_4 = arith.constant 0 : index
    %get3A_5 = arith.constant 0 : index
    %get3A_6 = vector.load %arg2[%get3A_4, %get3A_5] : memref<1x4096xf32, #tpu.memory_space<vmem>>, vector<1x4096xf32>
    %mul3A_7 = arith.constant 5.000000e+00 : f32
    %mul3A_8 = vector.broadcast %mul3A_7 : f32 to vector<1x4096xf32>
    %mul3A_9 = arith.mulf %get3A_6, %mul3A_8 : vector<1x4096xf32>
    %sub3A = vector.broadcast %mul3A_9 : vector<1x4096xf32> to vector<1024x4096xf32>
    %sub3A_10 = vector.broadcast %mul3A_3 : vector<1024x1xf32> to vector<1024x4096xf32>
    %sub3A_11 = arith.subf %sub3A, %sub3A_10 : vector<1024x4096xf32>
    %tanh3A = math.tanh %sub3A_11 : vector<1024x4096xf32>
    %reduce_sum3A = arith.constant dense<0.000000e+00> : vector<1024xf32>
    %reduce_sum3A_12 = vector.multi_reduction <add>, %tanh3A, %reduce_sum3A [1] : vector<1024x4096xf32> to vector<1024xf32>
    %broadcast_in_dim3A = vector.shape_cast %reduce_sum3A_12 : vector<1024xf32> to vector<1024x1xf32>
    %mul3A_13 = arith.constant 5.000000e-01 : f32
    %mul3A_14 = vector.broadcast %mul3A_13 : f32 to vector<1024x1xf32>
    %mul3A_15 = arith.mulf %mul3A_14, %broadcast_in_dim3A : vector<1024x1xf32>
    %sub3A_16 = arith.constant 2.048500e+03 : f32
    %sub3A_17 = vector.broadcast %sub3A_16 : f32 to vector<1024x1xf32>
    %sub3A_18 = arith.subf %sub3A_17, %mul3A_15 : vector<1024x1xf32>
    %swap3A = arith.constant 0 : index
    %swap3A_19 = arith.constant 0 : index
    %swap3A_20 = vector.load %arg3[%swap3A, %swap3A_19] : memref<1024x1xf32, #tpu.memory_space<vmem>>, vector<1024x1xf32>
    tpu.vector_store %arg3[%swap3A, %swap3A_19], %sub3A_18 {strides = array<i32>} : memref<1024x1xf32, #tpu.memory_space<vmem>>, vector<1024x1xf32>,
    %lt3A = arith.constant 0.000000e+00 : f32
    %lt3A_21 = vector.broadcast %lt3A : f32 to vector<1024x4096xf32>
    %lt3A_22 = arith.cmpf olt, %tanh3A, %lt3A_21 : vector<1024x4096xf32>
    %jit3A = arith.constant 1.000000e+00 : f32
    %jit3A_23 = arith.constant 0.000000e+00 : f32
    %broadcast_in_dim3A_24 = vector.broadcast %jit3A : f32 to vector<1024x4096xf32>
    %broadcast_in_dim3A_25 = vector.broadcast %jit3A_23 : f32 to vector<1024x4096xf32>
    %select_n3A = arith.select %lt3A_22, %broadcast_in_dim3A_24, %broadcast_in_dim3A_25 : vector<1024x4096xi1>, vector<1024x4096xf32>
    %reduce_sum3A_26 = arith.constant dense<0.000000e+00> : vector<1024xf32>
    %reduce_sum3A_27 = vector.multi_reduction <add>, %select_n3A, %reduce_sum3A_26 [1] : vector<1024x4096xf32> to vector<1024xf32>
    %broadcast_in_dim3A_28 = vector.shape_cast %reduce_sum3A_27 : vector<1024xf32> to vector<1024x1xf32>
    %convert_element_type3A = arith.fptosi %broadcast_in_dim3A_28 : vector<1024x1xf32> to vector<1024x1xi32>
    %jit3A_29 = arith.constant 64 : i32
    %div3A = vector.broadcast %jit3A_29 : i32 to vector<1024x1xi32>
    %div3A_30 = arith.divsi %convert_element_type3A, %div3A : vector<1024x1xi32>
    %sign3A = arith.constant 0 : i32
    %sign3A_31 = vector.broadcast %sign3A : i32 to vector<1024x1xi32>
    %sign3A_32 = arith.cmpi sgt, %convert_element_type3A, %sign3A_31 : vector<1024x1xi32>
    %sign3A_33 = arith.extui %sign3A_32 : vector<1024x1xi1> to vector<1024x1xi32>
    %sign3A_34 = arith.constant 0 : i32
    %sign3A_35 = vector.broadcast %sign3A_34 : i32 to vector<1024x1xi32>
    %sign3A_36 = arith.cmpi slt, %convert_element_type3A, %sign3A_35 : vector<1024x1xi32>
    %sign3A_37 = arith.extui %sign3A_36 : vector<1024x1xi1> to vector<1024x1xi32>
    %sign3A_38 = arith.subi %sign3A_33, %sign3A_37 : vector<1024x1xi32>
    %sign3A_39 = arith.constant 0 : i32
    %sign3A_40 = arith.cmpi sgt, %jit3A_29, %sign3A_39 : i32
    %sign3A_41 = arith.extui %sign3A_40 : i1 to i32
    %sign3A_42 = arith.constant 0 : i32
    %sign3A_43 = arith.cmpi slt, %jit3A_29, %sign3A_42 : i32
    %sign3A_44 = arith.extui %sign3A_43 : i1 to i32
    %sign3A_45 = arith.subi %sign3A_41, %sign3A_44 : i32
    %ne3A = vector.broadcast %sign3A_45 : i32 to vector<1024x1xi32>
    %ne3A_46 = arith.cmpi ne, %sign3A_38, %ne3A : vector<1024x1xi32>
    %rem3A = vector.broadcast %jit3A_29 : i32 to vector<1024x1xi32>
    %rem3A_47 = arith.remsi %convert_element_type3A, %rem3A : vector<1024x1xi32>
    %ne3A_48 = arith.constant 0 : i32
    %ne3A_49 = vector.broadcast %ne3A_48 : i32 to vector<1024x1xi32>
    %ne3A_50 = arith.cmpi ne, %rem3A_47, %ne3A_49 : vector<1024x1xi32>
    %and3A = arith.andi %ne3A_46, %ne3A_50 : vector<1024x1xi1>
    %sub3A_51 = arith.constant 1 : i32
    %sub3A_52 = vector.broadcast %sub3A_51 : i32 to vector<1024x1xi32>
    %sub3A_53 = arith.subi %div3A_30, %sub3A_52 : vector<1024x1xi32>
    %select_n3A_54 = arith.select %and3A, %sub3A_53, %div3A_30 : vector<1024x1xi1>, vector<1024x1xi32>
    %add3A = arith.constant 1 : i32
    %add3A_55 = vector.broadcast %add3A : i32 to vector<1024x1xi32>
    %add3A_56 = arith.addi %select_n3A_54, %add3A_55 : vector<1024x1xi32>
    %swap3A_57 = arith.constant 0 : index
    %swap3A_58 = arith.constant 0 : index
    %swap3A_59 = vector.load %arg4[%swap3A_57, %swap3A_58] : memref<1024x1xi32, #tpu.memory_space<vmem>>, vector<1024x1xi32>
    tpu.vector_store %arg4[%swap3A_57, %swap3A_58], %add3A_56 {strides = array<i32>} : memref<1024x1xi32, #tpu.memory_space<vmem>>, vector<1024x1xi32>,
    return
  }
  func.func @transform_0(%arg0: i32) -> (i32, i32) {
    %c0_i32 = arith.constant 0 : i32
    %c0_i32_0 = arith.constant 0 : i32
    return %arg0, %c0_i32 : i32, i32
  }
  func.func @transform_1(%arg0: i32) -> (i32, i32) {
    %c0_i32 = arith.constant 0 : i32
    %c0_i32_0 = arith.constant 0 : i32
    %c0_i32_1 = arith.constant 0 : i32
    return %c0_i32, %c0_i32_0 : i32, i32
  }
  func.func @transform_2(%arg0: i32) -> (i32, i32) {
    %c0_i32 = arith.constant 0 : i32
    %c0_i32_0 = arith.constant 0 : i32
    return %arg0, %c0_i32 : i32, i32
  }
  func.func @transform_3(%arg0: i32) -> (i32, i32) {
    %c0_i32 = arith.constant 0 : i32
    %c0_i32_0 = arith.constant 0 : i32
    return %arg0, %c0_i32 : i32, i32
  }
}

</mosaic_0001>

<sc_bundles>
// kernel: kernel.6.cloned.1.call-start
scs
__scs_entry_jumppad:
0x0: {  	(pc) =	sbr.rel $0x88, $3  }
0x1: {  	(tag) =	ssettag $0x0;
	lr =	simm.s32 $0x1  }
0x2: {  	[smem:$0x3F9F] =	sst lr;
	_ =	strace $0xD0000000  }
0x3: {  	_ = 	snop  }
0x4: {  	_ = 	snop  }
0x5: {  	_ = 	snop  }
0x6: {  	_ = 	snop  }
0x7: {  	_ = 	snop  }
__scs_overlays_trampoline_lowered:
0x8: {  	[smem:$0x3FAE] =	sst s0  }
0x9: {  	[smem:$0x3FAF] =	sst s1  }
0xa: {  	[smem:$0x3FB0] =	sst s2  }
0xb: {  	[smem:$0x3FB1] =	sst s3  }
0xc: {  	[smem:$0x3FB2] =	sst s4  }
0xd: {  	[smem:$0x3FB3] =	sst s5  }
0xe: {  	[smem:$0x3FB4] =	sst s6  }
0xf: {  	[smem:$0x3FB5] =	sst s7  }
0x10: {  	[smem:$0x3FB6] =	sst s8  }
0x11: {  	[smem:$0x3FB7] =	sst s9;
	s0 =	simm.s32 @!p0 $0x0  }
0x12: {  	s1 =	sld [smem:$0x3F9D];
	s0 =	simm.s32 @p0 $0x1  }
0x13: {  	[smem:$0x3FB8] =	sst s0;
	s0 =	simm.s32 @!p1 $0x0  }
0x14: {  	s2 =	sld [smem:$0x3F9C];
	s0 =	simm.s32 @p1 $0x1  }
0x15: {  	[smem:$0x3FB9] =	sst s0;
	s0 =	simm.s32 @!p2 $0x0  }
0x16: {  	s3 =	sld [smem:$0x3FDB];
	s0 =	simm.s32 @p2 $0x1  }
0x17: {  	s4 =	simm.s32 $0x1BF5;
	[smem:$0x3FBB] =	sst s0  }
0x18: {  	s0 =	sld [smem:$0x3F9E];
	_ =	swait.ge [sflag:s4], $0x0  }
0x19: {  	s7 =	sld [smem:$0x3F9F]  }
0x1a: {  	s8 =	sadd.s32 $0xFFFFE003, lr  }
0x1b: {  	s9 =	sadd.s32 $0xFFFFFEF7, lr;
	s5 =	simm.s32 $0xFFFFFFFF;
	p2 =	slt.u32 s8, $0xFFFFF086  }
0x1c: {  	p1 =	slt.u32 s9, $0xF7A;
	s5 =	simm.s32 @!p2 $0x0  }
0x1d: {  	s5 =	simm.s32 @p1 $0x1;
	p0 =	seq.s32 s7, s2  }
0x1e: {  	s7 =	smul.u32 @!p0 $0xF7A, s2;
	p2 =	seq.s32 @!p0 s5, $0x0  }
0x1f: {  	s9 =	smul.u32 $0xF7A, s1;
	s8 =	simm.s32 @!p0 $0x1BF5;
	p2 =	por !p2, p0  }
0x20: {  	[sflag:s8] =	ssyncset.s32 @!p0 $0xFFFFF086;
	s6 =	sadd.s32 @!p0 s3, s7;
	s7 =	simm.s32 @!p0 $0x108  }
0x21: {  	s3 =	sadd.s32 s3, s9;
	s6 =	sadd.s32 @!p0 $0x88, s6;
	s7 =	simm.s32 @p2 $0x1082  }
0x22: {  	[simem:s7], [sflag:s8] =	dma.local @!p0 [hbm:s6], $0xF7A  }
0x23: {  	s9 =	sor.u32 $0xD0000000, s2;
	s6 =	simm.s32 $0x108;
	_ =	swait.ge @!p0 [sflag:s8], $0x0  }
0x24: {  	s3 =	sadd.s32 $0x88, s3;
	s6 =	simm.s32 @!p1 $0x1082;
	[sflag:s4] =	ssyncset.s32 $0xFFFFF086  }
0x25: {  	[simem:s6], [sflag:s4] =	dma.local [hbm:s3], $0xF7A  }
0x26: {  	[smem:$0x3F9F] =	sst s1;
	(tag) =	ssettag s2;
	_ =	strace s9  }
0x27: {  	s1 =	sld [smem:$0x3FAF]  }
0x28: {  	s2 =	sld [smem:$0x3FB0]  }
0x29: {  	s4 =	sld [smem:$0x3FB2]  }
0x2a: {  	p0 =	seq.s32 s5, $0x0;
	s5 =	sld [smem:$0x3FB3]  }
0x2b: {  	s6 =	sld [smem:$0x3FB4]  }
0x2c: {  	s7 =	sld [smem:$0x3FB5]  }
0x2d: {  	s3 =	simm.s32 $0x108;
	s8 =	sld [smem:$0x3FB6]  }
0x2e: {  	s3 =	simm.s32 @!p0 $0x1082;
	s9 =	sld [smem:$0x3FB7]  }
0x2f: {  	lr =	sadd.s32 s0, s3;
	s0 =	sld [smem:$0x3FAE]  }
0x30: {  	s3 =	sld [smem:$0x3FB1]  }
0x31: {  	[smem:$0x3FBA] =	sst s10  }
0x32: {  	s10 =	sld [smem:$0x3FB8];
	_ =	sdelay $0x3  }
0x33: {  	p0 =	seq.s32 s10, $0x1;
	s10 =	sld [smem:$0x3FBA];
	_ =	sdelay $0x3  }
0x34: {  	[smem:$0x3FBA] =	sst s10  }
0x35: {  	s10 =	sld [smem:$0x3FB9];
	_ =	sdelay $0x3  }
0x36: {  	p1 =	seq.s32 s10, $0x1;
	s10 =	sld [smem:$0x3FBA];
	_ =	sdelay $0x3  }
0x37: {  	[smem:$0x3FBA] =	sst s10  }
0x38: {  	s10 =	sld [smem:$0x3FBB]  }
0x39: {  	_ = 	snop;
	(pc) =	sbr.ind lr, $3  }
0x3a: {  	_ = 	snop  }
0x3b: {  	_ = 	snop  }
0x3c: {  	p2 =	seq.s32 s10, $0x1;
	s10 =	sld [smem:$0x3FBA]  }
0x3d: {  	_ =	shalt  }
0x3e: {  	_ =	shalt  }
0x3f: {  	_ =	shalt  }
0x40: {  	_ =	shalt  }
0x41: {  	_ =	shalt  }
0x42: {  	_ =	shalt  }
0x43: {  	_ =	shalt  }
0x44: {  	_ =	shalt  }
0x45: {  	_ =	shalt  }
0x46: {  	_ =	shalt  }
0x47: {  	_ =	shalt  }
0x48: {  	_ =	shalt  }
0x49: {  	_ =	shalt  }
0x4a: {  	_ =	shalt  }
0x4b: {  	_ =	shalt  }
0x4c: {  	_ =	shalt  }
0x4d: {  	_ =	shalt  }
0x4e: {  	_ =	shalt  }
0x4f: {  	_ =	shalt  }
0x50: {  	_ =	shalt  }
0x51: {  	_ =	shalt  }
0x52: {  	_ =	shalt  }
0x53: {  	_ =	shalt  }
0x54: {  	_ =	shalt  }
0x55: {  	_ =	shalt  }
0x56: {  	_ =	shalt  }
0x57: {  	_ =	shalt  }
0x58: {  	_ =	shalt  }
0x59: {  	_ =	shalt  }
0x5a: {  	_ =	shalt  }
0x5b: {  	_ =	shalt  }
0x5c: {  	_ =	shalt  }
0x5d: {  	_ =	shalt  }
0x5e: {  	_ =	shalt  }
0x5f: {  	_ =	shalt  }
0x60: {  	_ =	shalt  }
0x61: {  	_ =	shalt  }
0x62: {  	_ =	shalt  }
0x63: {  	_ =	shalt  }
0x64: {  	_ =	shalt  }
0x65: {  	_ =	shalt  }
0x66: {  	_ =	shalt  }
0x67: {  	_ =	shalt  }
0x68: {  	_ =	shalt  }
0x69: {  	_ =	shalt  }
0x6a: {  	_ =	shalt  }
0x6b: {  	_ =	shalt  }
0x6c: {  	_ =	shalt  }
0x6d: {  	_ =	shalt  }
0x6e: {  	_ =	shalt  }
0x6f: {  	_ =	shalt  }
0x70: {  	_ =	shalt  }
0x71: {  	_ =	shalt  }
0x72: {  	_ =	shalt  }
0x73: {  	_ =	shalt  }
0x74: {  	_ =	shalt  }
0x75: {  	_ =	shalt  }
0x76: {  	_ =	shalt  }
0x77: {  	_ =	shalt  }
0x78: {  	_ =	shalt  }
0x79: {  	_ =	shalt  }
0x7a: {  	_ =	shalt  }
0x7b: {  	_ =	shalt  }
0x7c: {  	_ =	shalt  }
0x7d: {  	_ =	shalt  }
0x7e: {  	_ =	shalt  }
0x7f: {  	_ =	shalt  }
0x80: {  	_ =	shalt  }
0x81: {  	_ =	shalt  }
0x82: {  	_ =	shalt  }
0x83: {  	_ =	shalt  }
0x84: {  	_ =	shalt  }
0x85: {  	_ =	shalt  }
0x86: {  	_ =	shalt  }
0x87: {  	_ =	shalt  }
.Lfunc_end0:
.L_simem_size_0:
called_computation_lowered:
.L_overlay_start_0:
0x88: {  	s2 =	sld [smem:$0x3FD9]  }
0x89: {  	s3 =	sld [smem:$0x3FFE];
	_ =	sdelay $0x1  }
0x8a: {  	s1 =	srdreg.scid  }
0x8b: {  	s0 =	sand.u32 $0x1, s1  }
0x8c: {  	s17 =	sshll.u32 s0, $0xA;
	s2 =	sadd.s32 s3, s2  }
0x8d: {  	s2 =	sadd.s32 s2, s17  }
0x8e: {  	[smem:$0x3FC6] =	sst s2  }
0x8f: {  	_ = 	snop  }
0x90: {  	s2 =	sld [smem:$0x3FC8];
	(tm) =	ssettm $0x1  }
0x91: {  	s18 =	sld [smem:$0x3FFB];
	_ =	sdelay $0x3  }
0x92: {  	_ =	strace s18  }
0x93: {  	s3 =	sld [smem:$0x3FFC];
	_ =	sdelay $0x3  }
0x94: {  	_ =	strace s3  }
0x95: {  	s3 =	sld [smem:$0x3FFD];
	_ =	sdelay $0x3  }
0x96: {  	_ =	strace s3  }
0x97: {  	_ =	strace $0x8FFFFFFF  }
0x98: {  	s19 =	sld [smem:$0x3FDB];
	_ =	sdelay $0x1  }
0x99: {  	s4 =	simm.s32 $_scs_section_size  }
0x9a: {  	s5 =	simm.s32 $_size__tile_overlayer_lowered;
	s6 =	simm.s32 $_tile_overlayer_lowered  }
0x9b: {  	s22 =	simm.s32 $0x1BFF;
	s21 =	sshll.u32 s6, $0x1;
	s3 =	sadd.s32 s4, s19  }
0x9c: {  	s7 =	simm.s32 $0x0;
	s20 =	sshll.u32 s5, $0x1;
	s5 =	sadd.s32 s21, s3  }
0x9d: {  	[timem:s7], [sflag:s22] =	dma.local [hbm:s5], s20  }
0x9e: {  	_ =	swait.ge [sflag:s22], s20  }
0x9f: {  	s4 =	ssub.s32 $0x0, s20;
	[sflag:s22] =	ssyncset.done $0x0  }
0xa0: {  	[sflag:s22] =	ssyncadd.s32 s4;
	_ =	sdelay $0x1  }
0xa1: {  	s23 =	simm.s32 $0x1B8B  }
0xa2: {  	_ =	swait.ge [sflag:s23], $0x1  }
0xa3: {  	[sflag:s23] =	ssyncset.done $0x0  }
0xa4: {  	s25 =	simm.s32 $0x1B8E;
	s24 =	sld [smem:$0x3FFE];
	[sflag:s23] =	ssyncadd.s32 $0xFFFFFFFF  }
0xa5: {  	s26 =	simm.s32 $execute0_lowered;
	[smem:$0x3FD2] =	sst s25  }
0xa6: {  	s5 =	sshll.u32 s26, $0x1;
	_ =	strace $0x80000046;
	[dreg:$0x1] =	wrdreg $0xFFFFFFFF  }
0xa7: {  	s28 =	simm.s32 $_size_execute0_lowered;
	s3 =	sadd.s32 s3, s5;
	[dreg:$0x0] =	wrdreg $0x0  }
0xa8: {  	s5 =	sshll.u32 s28, $0x1;
	[dreg:$0x2] =	wrdreg s3  }
0xa9: {  	[dreg:$0x3] =	wrdreg s5  }
0xaa: {  	[dreg:$0x4] =	wrdreg $0xC0  }
0xab: {  	_ =	task [dreg:s7], $0x5FFFF  }
0xac: {  	[dreg:$0x1] =	wrdreg $0xFFFFFFFF  }
0xad: {  	[dreg:$0x0] =	wrdreg $0x60  }
0xae: {  	[dreg:$0x2] =	wrdreg s24  }
0xaf: {  	[dreg:$0x3] =	wrdreg s2  }
0xb0: {  	[dreg:$0x4] =	wrdreg $0x9  }
0xb1: {  	_ =	task.clear_ibuf [dreg:s7], $0x5FFFF;
	_ =	strace $0x90000046  }
0xb2: {  	s29 =	simm.s32 $0x9;
	_ =	strace $0x80000048  }
0xb3: {  	_ =	swait.ge [sflag:s29], $0x1  }
0xb4: {  	[sflag:s29] =	ssyncadd.s32 $0xFFFFFFFF  }
0xb5: {  	_ =	strace $0x90000048  }
0xb6: {  	_ =	sfence  }
0xb7: {  	s30 =	sld [smem:$0x0];
	_ =	sdelay $0x2  }
0xb8: {  	s31 =	sshll.u32 s1, $0xD;
	s1 =	sshrl.u32 s1, $0x2  }
0xb9: {  	s3 =	sand.u32 $0x4000, s31;
	s1 =	sadd.s32 s1, s30  }
0xba: {  	s0 =	sor.u32 s3, s0;
	s1 =	sshll.u32 s1, $0x11  }
0xbb: {  	s0 =	sor.u32 s1, s0  }
0xbc: {  	s0 =	sadd.s32 $0x8F2B, s0  }
0xbd: {  	[sflag:s0] =	ssyncadd.remote.s32 $0x1  }
0xbe: {  	_ =	sfence.sel $0xFFFF  }
0xbf: {  	[dreg:$0x0] =	wrdreg $0xFFFFFFFF;
	(pc) =	sbr.abs _section_cstart, $3  }
0xc0: {  	[dreg:$0x1] =	wrdreg $0xFFFFFFFF  }
0xc1: {  	_ =	task.clear_ibuf [dreg:s7], $0x2FFFF;
	_ =	strace $0x9FFFFFFF  }
0xc2: {  	(tm) =	ssettm $0x7FFFFFFF  }
0xc3: {  	_ =	shalt  }
tec
execute0_lowered:
.L_overlay_start_1:
0x0: {  	(tag) =	ssettag $0x1  }
0x1: {  	s1 =	srdreg.scid;
	s4 =	rddreg [dreg:$0x0]  }
0x2: {  	s0 =	stileid.u32;
	s3 =	rddreg [dreg:$0x1];
	s2 =	simm.s32 $0x0  }
0x3: {  	s18 =	simm.s32 $0x880;
	s19 =	simm.s32 $0x1080;
	s20 =	simm.s32 $0x1880  }
0x4: {  	s21 =	simm.s32 $0x2080;
	s23 =	simm.s32 $0x2880;
	s24 =	simm.s32 $0x3080  }
0x5: {  	s25 =	simm.s32 $0x3880;
	s26 =	simm.s32 $0x4080;
	s7 =	simm.s32 $0x80  }
0x6: {  	s9 =	simm.s32 $0x5080;
	s10 =	simm.s32 $0x5880;
	[smem:$0x7FF] =	sst s2  }
0x7: {  	s11 =	simm.s32 $0x6080;
	_ =	strace $0x80000047;
	[dreg:$0x5] =	wrdreg s18  }
0x8: {  	s12 =	simm.s32 $0x6880;
	s13 =	simm.s32 $0x7080;
	[dreg:$0x6] =	wrdreg s19  }
0x9: {  	s14 =	simm.s32 $0x7880;
	s15 =	simm.s32 $0x8080;
	[dreg:$0x7] =	wrdreg s20  }
0xa: {  	s16 =	simm.s32 $0x8880;
	s28 =	simm.s32 $0xE080;
	[dreg:$0x8] =	wrdreg s21  }
0xb: {  	s29 =	simm.s32 $0xE880;
	s30 =	simm.s32 $0xF080;
	[dreg:$0x9] =	wrdreg s23  }
0xc: {  	s31 =	simm.s32 $0xF880;
	s1 =	sand.u32 $0x1, s1;
	[dreg:$0xa] =	wrdreg s24  }
0xd: {  	s5 =	sshll.u32 s0, $0x8;
	s6 =	sshll.u32 s1, $0x7;
	[dreg:$0xb] =	wrdreg s25  }
0xe: {  	s1 =	ssub.s32 $0x2, s1;
	[dreg:$0xc] =	wrdreg s26;
	s18 =	simm.s32 $0x9880  }
0xf: {  	s19 =	simm.s32 $0xA080;
	s20 =	simm.s32 $0xA880;
	s21 =	simm.s32 $0xB080  }
0x10: {  	s23 =	simm.s32 $0xC080;
	s24 =	simm.s32 $0xC880;
	s25 =	simm.s32 $0xD080  }
0x11: {  	s26 =	simm.s32 $0xD880;
	s5 =	sor.u32 s6, s5;
	s22 =	sshrl.u32 s1, $0x1  }
0x12: {  	s6 =	sshll.u32 s5, $0x6;
	s5 =	sshrl.u32 s5, $0x3;
	s1 =	ssub.s32 s1, s22  }
0x13: {  	s22 =	simm.s32 $0xB880;
	s6 =	sadd.s32 s6, s4;
	s3 =	sadd.s32 s3, s5  }
0x14: {  	v2 =	vlaneseq.u32;
	s5 =	smax.u32 s1, $0x1;
	s1 =	simm.s32 $0x1;
	[dreg:$0x3] =	wrdreg s3  }
0x15: {  	vm0 =	vmmov $0xffff;
	v1 =	vshrl.u32 v2, $0x3;
	s17 =	sadd.s32 $0x1200, s6;
	s3 =	sadd.s32 $0x200, s4;
	s4 =	sadd.s32 $0x300, s4  }
0x16: {  	v0 =	vand.u32 $0x7, v2;
	v2 =	vor.u32 $0x8, v2;
	v1 =	vmul.u32 $0x8, v1;
	s6 =	simm.s32 $0x2;
	[dreg:$0x4] =	wrdreg s17;
	s17 =	simm.s32 $0x9080  }
.LBB2_1:
0x17: {  	s0 =	rddreg [dreg:$0x3]  }
0x18: {  	[tilespmem:s2], [sflag:$0x2] =	stream.linear.gather [hbm4b:s0+s2], $0x80, $0x38;
	[tilespmem:$0x10080] =	vst v63  }
0x19: {  	_ =	swait.ge [sflag:s6], $0x80  }
0x1a: {  	[sflag:s6] =	ssyncset.done $0x0  }
0x1b: {  	[sflag:s6] =	ssyncadd.s32 $0xFFFFFF80  }
0x1c: {  	v3 =	vld [tilespmem:$0x0];
	_ =	sdelay $0x4  }
0x1d: {  	v4 =	vshll.u32 v3, $0x2  }
0x1e: {  	v3 =	vand.u32 $0x7, v3;
	v4 =	vand.u32 $0xFFFFFFE0, v4  }
0x1f: {  	v3 =	vor.u32 v3, v4  }
0x20: {  	v4 =	vperm.xlane v3, v0;
	_ =	sdelay $0x1  }
0x21: {  	v4 =	vadd.s32 v1, v4;
	_ =	sdelay $0x1  }
0x22: {  	v3 =	vperm.xlane v3, v2;
	_ =	sdelay $0x1  }
0x23: {  	v3 =	vadd.s32 v1, v3  }
0x24: {  	[tilespmem:s7], [sflag:$0x1] =	stream.indirect_vreg.gather [hbm4b:s3+s2], $0x80, v4, vm0, $0xb8;
	[tilespmem:$0x10080] =	vst v63  }
0x25: {  	s0 =	rddreg [dreg:$0x5]  }
0x26: {  	[tilespmem:s0], [sflag:$0x1] =	stream.indirect_vreg.gather [hbm4b:s4+s2], $0x80, v4, vm0, $0xb8;
	[tilespmem:$0x10080] =	vst v63  }
0x27: {  	s8 =	rddreg [dreg:$0x6]  }
0x28: {  	[tilespmem:s8], [sflag:$0x1] =	stream.indirect_vreg.gather [hbm4b:s3+s2], $0x80, v3, vm0, $0xb8;
	[tilespmem:$0x10080] =	vst v63  }
0x29: {  	s0 =	rddreg [dreg:$0x7]  }
0x2a: {  	[tilespmem:s0], [sflag:$0x1] =	stream.indirect_vreg.gather [hbm4b:s4+s2], $0x80, v3, vm0, $0xb8;
	[tilespmem:$0x10080] =	vst v63  }
0x2b: {  	v3 =	vld [tilespmem:$0x10];
	_ =	sdelay $0x4  }
0x2c: {  	v57 =	vshll.u32 v3, $0x2  }
0x2d: {  	v3 =	vand.u32 $0x7, v3;
	v4 =	vand.u32 $0xFFFFFFE0, v57  }
0x2e: {  	v3 =	vor.u32 v3, v4  }
0x2f: {  	v4 =	vperm.xlane v3, v0;
	_ =	sdelay $0x1  }
0x30: {  	v4 =	vadd.s32 v1, v4;
	_ =	sdelay $0x1  }
0x31: {  	v3 =	vperm.xlane v3, v2;
	_ =	sdelay $0x1  }
0x32: {  	s0 =	rddreg [dreg:$0x8];
	v3 =	vadd.s32 v1, v3  }
0x33: {  	[tilespmem:s0], [sflag:$0x1] =	stream.indirect_vreg.gather [hbm4b:s3+s2], $0x80, v4, vm0, $0xb8;
	[tilespmem:$0x10080] =	vst v63  }
0x34: {  	s8 =	rddreg [dreg:$0x9]  }
0x35: {  	[tilespmem:s8], [sflag:$0x1] =	stream.indirect_vreg.gather [hbm4b:s4+s2], $0x80, v4, vm0, $0xb8;
	[tilespmem:$0x10080] =	vst v63  }
0x36: {  	s0 =	rddreg [dreg:$0xa]  }
0x37: {  	[tilespmem:s0], [sflag:$0x1] =	stream.indirect_vreg.gather [hbm4b:s3+s2], $0x80, v3, vm0, $0xb8;
	[tilespmem:$0x10080] =	vst v63  }
0x38: {  	s8 =	rddreg [dreg:$0xb]  }
0x39: {  	[tilespmem:s8], [sflag:$0x1] =	stream.indirect_vreg.gather [hbm4b:s4+s2], $0x80, v3, vm0, $0xb8;
	[tilespmem:$0x10080] =	vst v63  }
0x3a: {  	v3 =	vld [tilespmem:$0x20];
	_ =	sdelay $0x4  }
0x3b: {  	v58 =	vshll.u32 v3, $0x2  }
0x3c: {  	v3 =	vand.u32 $0x7, v3;
	v4 =	vand.u32 $0xFFFFFFE0, v58  }
0x3d: {  	v3 =	vor.u32 v3, v4  }
0x3e: {  	v4 =	vperm.xlane v3, v0;
	_ =	sdelay $0x1  }
0x3f: {  	v4 =	vadd.s32 v1, v4;
	_ =	sdelay $0x1  }
0x40: {  	v3 =	vperm.xlane v3, v2;
	_ =	sdelay $0x1  }
0x41: {  	s8 =	rddreg [dreg:$0xc];
	v3 =	vadd.s32 v1, v3  }
0x42: {  	[tilespmem:s8], [sflag:$0x1] =	stream.indirect_vreg.gather [hbm4b:s3+s2], $0x80, v4, vm0, $0xb8;
	[tilespmem:$0x10080] =	vst v63  }
0x43: {  	s8 =	simm.s32 $0x4880  }
0x44: {  	[tilespmem:s8], [sflag:$0x1] =	stream.indirect_vreg.gather [hbm4b:s4+s2], $0x80, v4, vm0, $0xb8;
	[tilespmem:$0x10080] =	vst v63  }
0x45: {  	_ = 	snop  }
0x46: {  	[tilespmem:s9], [sflag:$0x1] =	stream.indirect_vreg.gather [hbm4b:s3+s2], $0x80, v3, vm0, $0xb8;
	[tilespmem:$0x10080] =	vst v63  }
0x47: {  	_ = 	snop  }
0x48: {  	[tilespmem:s10], [sflag:$0x1] =	stream.indirect_vreg.gather [hbm4b:s4+s2], $0x80, v3, vm0, $0xb8;
	[tilespmem:$0x10080] =	vst v63  }
0x49: {  	v3 =	vld [tilespmem:$0x30];
	_ =	sdelay $0x4  }
0x4a: {  	v59 =	vshll.u32 v3, $0x2  }
0x4b: {  	v3 =	vand.u32 $0x7, v3;
	v4 =	vand.u32 $0xFFFFFFE0, v59  }
0x4c: {  	v3 =	vor.u32 v3, v4  }
0x4d: {  	v4 =	vperm.xlane v3, v0;
	_ =	sdelay $0x1  }
0x4e: {  	v4 =	vadd.s32 v1, v4;
	_ =	sdelay $0x1  }
0x4f: {  	v3 =	vperm.xlane v3, v2;
	_ =	sdelay $0x1  }
0x50: {  	v3 =	vadd.s32 v1, v3  }
0x51: {  	[tilespmem:s11], [sflag:$0x1] =	stream.indirect_vreg.gather [hbm4b:s3+s2], $0x80, v4, vm0, $0xb8;
	[tilespmem:$0x10080] =	vst v63  }
0x52: {  	_ = 	snop  }
0x53: {  	[tilespmem:s12], [sflag:$0x1] =	stream.indirect_vreg.gather [hbm4b:s4+s2], $0x80, v4, vm0, $0xb8;
	[tilespmem:$0x10080] =	vst v63  }
0x54: {  	_ = 	snop  }
0x55: {  	[tilespmem:s13], [sflag:$0x1] =	stream.indirect_vreg.gather [hbm4b:s3+s2], $0x80, v3, vm0, $0xb8;
	[tilespmem:$0x10080] =	vst v63  }
0x56: {  	_ = 	snop  }
0x57: {  	[tilespmem:s14], [sflag:$0x1] =	stream.indirect_vreg.gather [hbm4b:s4+s2], $0x80, v3, vm0, $0xb8;
	[tilespmem:$0x10080] =	vst v63  }
0x58: {  	v3 =	vld [tilespmem:$0x40];
	_ =	sdelay $0x4  }
0x59: {  	v60 =	vshll.u32 v3, $0x2  }
0x5a: {  	v3 =	vand.u32 $0x7, v3;
	v4 =	vand.u32 $0xFFFFFFE0, v60  }
0x5b: {  	v3 =	vor.u32 v3, v4  }
0x5c: {  	v4 =	vperm.xlane v3, v0;
	_ =	sdelay $0x1  }
0x5d: {  	v4 =	vadd.s32 v1, v4;
	_ =	sdelay $0x1  }
0x5e: {  	v3 =	vperm.xlane v3, v2;
	_ =	sdelay $0x1  }
0x5f: {  	v3 =	vadd.s32 v1, v3  }
0x60: {  	[tilespmem:s15], [sflag:$0x1] =	stream.indirect_vreg.gather [hbm4b:s3+s2], $0x80, v4, vm0, $0xb8;
	[tilespmem:$0x10080] =	vst v63  }
0x61: {  	_ = 	snop  }
0x62: {  	[tilespmem:s16], [sflag:$0x1] =	stream.indirect_vreg.gather [hbm4b:s4+s2], $0x80, v4, vm0, $0xb8;
	[tilespmem:$0x10080] =	vst v63  }
0x63: {  	_ = 	snop  }
0x64: {  	[tilespmem:s17], [sflag:$0x1] =	stream.indirect_vreg.gather [hbm4b:s3+s2], $0x80, v3, vm0, $0xb8;
	[tilespmem:$0x10080] =	vst v63  }
0x65: {  	_ = 	snop  }
0x66: {  	[tilespmem:s18], [sflag:$0x1] =	stream.indirect_vreg.gather [hbm4b:s4+s2], $0x80, v3, vm0, $0xb8;
	[tilespmem:$0x10080] =	vst v63  }
0x67: {  	v3 =	vld [tilespmem:$0x50];
	_ =	sdelay $0x4  }
0x68: {  	v61 =	vshll.u32 v3, $0x2  }
0x69: {  	v3 =	vand.u32 $0x7, v3;
	v4 =	vand.u32 $0xFFFFFFE0, v61  }
0x6a: {  	v3 =	vor.u32 v3, v4  }
0x6b: {  	v4 =	vperm.xlane v3, v0;
	_ =	sdelay $0x1  }
0x6c: {  	v4 =	vadd.s32 v1, v4;
	_ =	sdelay $0x1  }
0x6d: {  	v3 =	vperm.xlane v3, v2;
	_ =	sdelay $0x1  }
0x6e: {  	v3 =	vadd.s32 v1, v3  }
0x6f: {  	[tilespmem:s19], [sflag:$0x1] =	stream.indirect_vreg.gather [hbm4b:s3+s2], $0x80, v4, vm0, $0xb8;
	[tilespmem:$0x10080] =	vst v63  }
0x70: {  	_ = 	snop  }
0x71: {  	[tilespmem:s20], [sflag:$0x1] =	stream.indirect_vreg.gather [hbm4b:s4+s2], $0x80, v4, vm0, $0xb8;
	[tilespmem:$0x10080] =	vst v63  }
0x72: {  	_ = 	snop  }
0x73: {  	[tilespmem:s21], [sflag:$0x1] =	stream.indirect_vreg.gather [hbm4b:s3+s2], $0x80, v3, vm0, $0xb8;
	[tilespmem:$0x10080] =	vst v63  }
0x74: {  	_ = 	snop  }
0x75: {  	[tilespmem:s22], [sflag:$0x1] =	stream.indirect_vreg.gather [hbm4b:s4+s2], $0x80, v3, vm0, $0xb8;
	[tilespmem:$0x10080] =	vst v63  }
0x76: {  	v3 =	vld [tilespmem:$0x60];
	_ =	sdelay $0x4  }
0x77: {  	v62 =	vshll.u32 v3, $0x2  }
0x78: {  	v3 =	vand.u32 $0x7, v3;
	v4 =	vand.u32 $0xFFFFFFE0, v62  }
0x79: {  	v3 =	vor.u32 v3, v4  }
0x7a: {  	v4 =	vperm.xlane v3, v0;
	_ =	sdelay $0x1  }
0x7b: {  	v4 =	vadd.s32 v1, v4;
	_ =	sdelay $0x1  }
0x7c: {  	v3 =	vperm.xlane v3, v2;
	_ =	sdelay $0x1  }
0x7d: {  	v3 =	vadd.s32 v1, v3  }
0x7e: {  	[tilespmem:s23], [sflag:$0x1] =	stream.indirect_vreg.gather [hbm4b:s3+s2], $0x80, v4, vm0, $0xb8;
	[tilespmem:$0x10080] =	vst v63  }
0x7f: {  	_ = 	snop  }
0x80: {  	[tilespmem:s24], [sflag:$0x1] =	stream.indirect_vreg.gather [hbm4b:s4+s2], $0x80, v4, vm0, $0xb8;
	[tilespmem:$0x10080] =	vst v63  }
0x81: {  	_ = 	snop  }
0x82: {  	[tilespmem:s25], [sflag:$0x1] =	stream.indirect_vreg.gather [hbm4b:s3+s2], $0x80, v3, vm0, $0xb8;
	[tilespmem:$0x10080] =	vst v63  }
0x83: {  	_ = 	snop  }
0x84: {  	[tilespmem:s26], [sflag:$0x1] =	stream.indirect_vreg.gather [hbm4b:s4+s2], $0x80, v3, vm0, $0xb8;
	[tilespmem:$0x10080] =	vst v63  }
0x85: {  	v3 =	vld [tilespmem:$0x70];
	_ =	sdelay $0x4  }
0x86: {  	v63 =	vshll.u32 v3, $0x2  }
0x87: {  	v3 =	vand.u32 $0x7, v3;
	v4 =	vand.u32 $0xFFFFFFE0, v63  }
0x88: {  	v3 =	vor.u32 v3, v4  }
0x89: {  	v4 =	vperm.xlane v3, v0;
	_ =	sdelay $0x1  }
0x8a: {  	v4 =	vadd.s32 v1, v4;
	_ =	sdelay $0x1  }
0x8b: {  	v3 =	vperm.xlane v3, v2;
	_ =	sdelay $0x1  }
0x8c: {  	v3 =	vadd.s32 v1, v3  }
0x8d: {  	[tilespmem:s28], [sflag:$0x1] =	stream.indirect_vreg.gather [hbm4b:s3+s2], $0x80, v4, vm0, $0xb8;
	[tilespmem:$0x10080] =	vst v63  }
0x8e: {  	_ = 	snop  }
0x8f: {  	[tilespmem:s29], [sflag:$0x1] =	stream.indirect_vreg.gather [hbm4b:s4+s2], $0x80, v4, vm0, $0xb8;
	[tilespmem:$0x10080] =	vst v63  }
0x90: {  	_ = 	snop  }
0x91: {  	[tilespmem:s30], [sflag:$0x1] =	stream.indirect_vreg.gather [hbm4b:s3+s2], $0x80, v3, vm0, $0xb8;
	[tilespmem:$0x10080] =	vst v63  }
0x92: {  	_ = 	snop  }
0x93: {  	[tilespmem:s31], [sflag:$0x1] =	stream.indirect_vreg.gather [hbm4b:s4+s2], $0x80, v3, vm0, $0xb8;
	[tilespmem:$0x10080] =	vst v63  }
0x94: {  	_ =	swait.ge [sflag:s1], $0x10000  }
0x95: {  	p0 =	sne.s32 s5, $0x1;
	[sflag:s1] =	ssyncset.done $0x0  }
.Ltmp0:
0x96: {  	s8 =	rddreg [dreg:$0x4];
	[sflag:s1] =	ssyncadd.s32 $0xFFFF0000;
	(pc) =	sbr.rel @p0 .LBB2_1-.Ltmp0, $4  }
0x97: {  	[hbm4b:s8+s2] =	stream.linear.scatter [tilespmem:s7], [sflag:$0x2], $0x10000, $0x38;
	[tilespmem:$0x10080] =	vst v63  }
0x98: {  	_ =	swait.ge [sflag:s6], $0x10000  }
0x99: {  	[sflag:s6] =	ssyncset.done $0x0  }
0x9a: {  	s5 =	sadd.s32 $0xFFFFFFFF, s5;
	[sflag:s6] =	ssyncadd.s32 $0xFFFF0000  }
0x9b: {  	_ =	sfence.sel $0x180000  }
0x9c: {  	[bflag:$0x0] =	sbarrier.arrive $0xFFFF  }
0x9d: {  	_ =	strace $0x90000047  }
0x9e: {  	s0 =	stileid.u32;
	[bflag:$0x2] =	sbarrier.arrive $0xFFFF  }
0x9f: {  	p0 =	sne.s32 s0, $0x0;
	s0 =	rddreg [dreg:$0x2]  }
0xa0: {  	s0 =	sadd.s32 @!p0 $0x100000, s0  }
0xa1: {  	[sflag:s0] =	ssyncadd.tile.s32 @!p0 $0x1;
	_ =	shalt  }
.Lfunc_end2:
_tile_overlayer_lowered:
.L_overlay_start_2:
0xa2: {  	(tag) =	ssettag $0x2  }
0xa3: {  	s0 =	rddreg [dreg:$0x0];
	s2 =	stileid.u32  }
0xa4: {  	s1 =	rddreg [dreg:$0x1];
	p0 =	sne.s32 s2, $0x0  }
0xa5: {  	s3 =	rddreg [dreg:$0x2];
	[bflag:$0x3] =	sbarrier.arrive $0xFFFF;
	s2 =	simm.s32 @!p0 $0x1C02  }
0xa6: {  	[timem:s3], [sflag:s2] =	dma.local @!p0 [hbm:s0], s1  }
0xa7: {  	s0 =	simm.s32 @!p0 $0x2  }
0xa8: {  	_ =	swait.ge @!p0 [sflag:s0], s1  }
0xa9: {  	s1 =	ssub.s32 @!p0 $0x0, s1;
	[sflag:s0] =	ssyncset.done @!p0 $0x0  }
0xaa: {  	[sflag:s0] =	ssyncadd.s32 @!p0 s1  }
0xab: {  	[bflag:$0x3] =	sbarrier.arrive $0xFFFF  }
0xac: {  	_ =	shalt  }

</sc_bundles>
